<compile_context>
chip_gen: v7x
topology: tpu7x:2x2x1
jax: 0.10.2.dev20260603
libtpu: 0.0.44.dev20260713+nightly
codegen_flags: <defaults>
</compile_context>

<pallas_src>
import functools

import numpy as np
import jax
import jax.numpy as jnp
from jax import lax
from jax.experimental import pallas as pl
from jax.experimental.pallas import tpu as pltpu
from jax.experimental.pallas import tpu_sc as plsc

_MEM_SIZE = (2, 10, 10, 2, 10, 10, 2, 10, 10, 2)
_N_CELLS = 80000
_SLAB = 200
_N = 207872
_RV_W = 241

_ROWS = 7168
_N_BLOCKS = _N // _ROWS

_CONSTS = np.zeros((2, 128), np.int32)
_CONSTS[0, :7] = [40000, 4000, 400, 200, 20, 2, 1]
_CONSTS[1, :7] = [1, 9, 9, 1, 9, 9, 1]


def _hash_body(x_ref, w_ref, c_ref, o_ref):
    h = lax.dot_general(
        x_ref[...], w_ref[...], (((0,), (0,)), ((), ())),
        preferred_element_type=jnp.float32,
    )
    hi = h.astype(jnp.int32)
    hc = jnp.minimum(jnp.maximum(hi, 0), c_ref[1, :][None, :])
    lin = jnp.sum(hc * c_ref[0, :][None, :], axis=1, dtype=jnp.int32)
    o_ref[...] = lin.reshape(1, _ROWS // 128, 128)


_hash_call = pl.pallas_call(
    _hash_body,
    grid=(_N_BLOCKS,),
    in_specs=[
        pl.BlockSpec((_RV_W, _ROWS), lambda i: (0, i)),
        pl.BlockSpec((_RV_W, 128), lambda i: (0, 0)),
        pl.BlockSpec((2, 128), lambda i: (0, 0)),
    ],
    out_specs=pl.BlockSpec((1, _ROWS // 128, 128), lambda i: (i, 0, 0)),
    out_shape=jax.ShapeDtypeStruct((_N_BLOCKS, _ROWS // 128, 128), jnp.int32),
)

_NC, _NS = 2, 16
_NW = _NC * _NS
_PER_W = _N // _NW
_CHUNK = 112
_NCHUNK = _PER_W // _CHUNK
_TAB = _NS * 5120
_ZSL = 5120
_OSL = _N_CELLS // _NS

def _hist_body(lin_hbm, out_hbm, idx_v, ones_v, stage_v, table_sp):
    cid = lax.axis_index("c")
    sid = lax.axis_index("s")
    wid = cid * _NS + sid

    def _ones(i, _):
        ones_v[pl.ds(i * 16, 16)] = jnp.full((16,), 1.0, jnp.float32)
        return 0

    lax.fori_loop(0, _PER_W // 16, _ones, 0)

    def _zero(i, _):
        stage_v[pl.ds(i * 16, 16)] = jnp.zeros((16,), jnp.float32)
        return 0

    lax.fori_loop(0, _ZSL // 16, _zero, 0)
    pltpu.sync_copy(stage_v, table_sp.at[pl.ds(sid * _ZSL, _ZSL)])
    pltpu.sync_copy(lin_hbm.at[wid], idx_v)
    plsc.subcore_barrier()

    pltpu.sync_copy(ones_v, table_sp.at[idx_v], add=True)
    plsc.subcore_barrier()

    pltpu.sync_copy(table_sp.at[pl.ds(sid * _OSL, _OSL)],
                    stage_v.at[pl.ds(0, _OSL)])
    pltpu.sync_copy(stage_v.at[pl.ds(0, _OSL)],
                    out_hbm.at[pl.ds(cid * _N_CELLS + sid * _OSL, _OSL)])


@functools.cache
def _make_hist_call():
    mesh = plsc.VectorSubcoreMesh(
        core_axis_name="c", subcore_axis_name="s",
        num_cores=_NC, num_subcores=_NS,
    )
    return pl.kernel(
        _hist_body,
        out_type=jax.ShapeDtypeStruct((_NC * _N_CELLS,), jnp.float32),
        mesh=mesh,
        scratch_types=[
            pltpu.VMEM((_PER_W,), jnp.int32),
            pltpu.VMEM((_PER_W,), jnp.float32),
            pltpu.VMEM((_ZSL,), jnp.float32),
            pltpu.VMEM_SHARED((_TAB,), jnp.float32),
        ],
    )


def kernel(rel_vec, hash_weight):
    w_pad = jnp.zeros((_RV_W, 128), jnp.float32).at[:, :7].set(hash_weight.T)
    lin = _hash_call(rel_vec.T, w_pad, jnp.asarray(_CONSTS))
    lin = lin.reshape(_NW, _PER_W)
    counts = _make_hist_call()(lin).reshape(_NC, _N_CELLS)
    csum = (counts[0] + counts[1]).reshape(_MEM_SIZE[:7])
    return jnp.broadcast_to(csum[..., None, None, None], _MEM_SIZE)

# --- scband reference (transcript-rebuilt; emitter-appended) ---
"""Pipeline reference for scband-deep-mem-relative-locs-projected-lower-dim-40089224741407 (READ-ONLY COPY).

The authoritative reference and input builder live on the scoring server;
editing this copy changes nothing except your own understanding.
"""

import jax, jax.numpy as jnp
import numpy as np

MEM_SIZE = (2, 10, 10, 2, 10, 10, 2, 10, 10, 2)
MEM_CHAN = 7
REL_VEC_WIDTH = 241  # n_nebs_hashed * 3 + 1 = 80*3+1
BATCH_SIZE = 256
N = BATCH_SIZE * 812  # 207872


def setup_inputs(seed: int = 0) -> dict:
    key = jax.random.key(seed)
    k1, k2 = jax.random.split(key)
    # rel_vec entries are in [0,1] in the original (texture bits and normalized vecs)
    rel_vec = jax.random.uniform(k1, (N, REL_VEC_WIDTH), dtype=jnp.float32)
    # hash Linear(rel_vec_width -> mem_chan, bias=False), uniform init scaled by 0.15
    hash_weight = jax.random.uniform(k2, (MEM_CHAN, REL_VEC_WIDTH), dtype=jnp.float32) * 0.15
    return {"rel_vec": rel_vec, "hash_weight": hash_weight}


def reference(rel_vec, hash_weight):
    # make_hash: linear projection -> long -> clamp into memory grid
    h = rel_vec @ hash_weight.T  # [N, 7]
    h = h.astype(jnp.int32)
    # clamp per-dim so indices are in range for the 10-d memory's first 7 dims
    # (original clamps to mem_width-1=19 globally; per-dim clamp keeps indexing valid)
    dims = jnp.asarray(MEM_SIZE[:MEM_CHAN], dtype=jnp.int32)
    h = jnp.clip(h, 0, dims[None, :] - 1)
    # store: mem.index_put_(hash.split(1,dim=1), ones, accumulate=True)
    # advanced indexing on first 7 dims; value 1 broadcasts over trailing [10,10,2] slab
    mem = jnp.zeros(MEM_SIZE, dtype=jnp.float32)
    idx = tuple(h[:, i] for i in range(MEM_CHAN))
    mem = mem.at[idx].add(1.0)
    return mem

if __name__ == "__main__":
    import jax
    _d = setup_inputs()
    print(jax.jit(kernel)(*tuple(_d.values())))

</pallas_src>

<mosaic_0001>
#map = affine_map<(d0, d1) -> (0, 0)>
#map1 = affine_map<(d0, d1) -> (0)>
module attributes {stable_mosaic.version = 14 : i64} {
  func.func @_hist_body(%arg0: i32, %arg1: i32, %arg2: memref<32x6496xi32, #tpu.memory_space<hbm>>, %arg3: memref<160000xf32, #tpu.memory_space<hbm>>, %arg4: memref<6496xi32, #tpu.memory_space<vmem>>, %arg5: memref<6496xf32, #tpu.memory_space<vmem>>, %arg6: memref<5120xf32, #tpu.memory_space<vmem>>, %arg7: memref<81920xf32, #tpu.memory_space<vmem_shared>>) attributes {dimension_semantics = [#tpu.dimension_semantics<core_parallel>, #tpu.dimension_semantics<subcore_parallel>], iteration_bounds = array<i64: 2, 16>, scalar_prefetch = 0 : i64, scratch_operands = 4 : i64, tpu.core_type = #tpu.core_type<sc_vector_subcore>, window_params = [{transform_indices = #map}, {transform_indices = #map1}]} {
    %mul3A = arith.constant 16 : i32
    %mul3A_0 = arith.muli %arg0, %mul3A : i32
    %add3A = arith.addi %mul3A_0, %arg1 : i32
    %scan3A = arith.constant 0 : i32
    %scan3A_1 = arith.constant 0 : i32
    %scan3A_2 = arith.constant 406 : i32
    %scan3A_3 = arith.addi %scan3A_1, %scan3A_2 : i32
    %scan3A_4 = arith.constant 1 : i32
    %scan3A_5 = scf.for %scan3A_24 = %scan3A_1 to %scan3A_3 step %scan3A_4 iter_args(%scan3A_25 = %scan3A) -> (i32)  : i32 {
      %broadcast_in_dim3A = arith.constant 1.000000e+00 : f32
      %broadcast_in_dim3A_26 = vector.broadcast %broadcast_in_dim3A : f32 to vector<16xf32>
      %mul3A_27 = arith.constant 16 : i32
      %mul3A_28 = arith.muli %scan3A_24, %mul3A_27 : i32
      %swap3A = arith.index_cast %mul3A_28 : i32 to index
      %swap3A_29 = tpu.vector_load %arg5[%swap3A] {strides = array<i32>} : memref<6496xf32, #tpu.memory_space<vmem>>, vector<16xf32>,
      %swap3A_30 = vector.shape_cast %swap3A_29 : vector<16xf32> to vector<16xf32>
      %swap3A_31 = vector.shape_cast %broadcast_in_dim3A_26 : vector<16xf32> to vector<16xf32>
      tpu.vector_store %arg5[%swap3A], %swap3A_31 {strides = array<i32>} : memref<6496xf32, #tpu.memory_space<vmem>>, vector<16xf32>,
      %scan3A_32 = arith.constant 0 : i32
      scf.yield %scan3A_32 : i32
    }
    %scan3A_6 = arith.constant 406 : i32
    %scan3A_7 = arith.constant 0 : i32
    %scan3A_8 = arith.constant 0 : i32
    %scan3A_9 = arith.constant 320 : i32
    %scan3A_10 = arith.addi %scan3A_8, %scan3A_9 : i32
    %scan3A_11 = arith.constant 1 : i32
    %scan3A_12 = scf.for %scan3A_24 = %scan3A_8 to %scan3A_10 step %scan3A_11 iter_args(%scan3A_25 = %scan3A_7) -> (i32)  : i32 {
      %broadcast_in_dim3A = arith.constant 0.000000e+00 : f32
      %broadcast_in_dim3A_26 = vector.broadcast %broadcast_in_dim3A : f32 to vector<16xf32>
      %mul3A_27 = arith.constant 16 : i32
      %mul3A_28 = arith.muli %scan3A_24, %mul3A_27 : i32
      %swap3A = arith.index_cast %mul3A_28 : i32 to index
      %swap3A_29 = tpu.vector_load %arg6[%swap3A] {strides = array<i32>} : memref<5120xf32, #tpu.memory_space<vmem>>, vector<16xf32>,
      %swap3A_30 = vector.shape_cast %swap3A_29 : vector<16xf32> to vector<16xf32>
      %swap3A_31 = vector.shape_cast %broadcast_in_dim3A_26 : vector<16xf32> to vector<16xf32>
      tpu.vector_store %arg6[%swap3A], %swap3A_31 {strides = array<i32>} : memref<5120xf32, #tpu.memory_space<vmem>>, vector<16xf32>,
      %scan3A_32 = arith.constant 0 : i32
      scf.yield %scan3A_32 : i32
    }
    %scan3A_13 = arith.constant 320 : i32
    %mul3A_14 = arith.constant 5120 : i32
    %mul3A_15 = arith.muli %arg1, %mul3A_14 : i32
    "tpu.region"() ({
      %run_scoped3A = tpu.sem_alloc : memref<!tpu.dma_semaphore, #tpu.memory_space<semaphore_mem>>
      %dma_start3A = tpu.memref_slice %arg7[%mul3A_15] : memref<81920xf32, #tpu.memory_space<vmem_shared>> -> memref<5120xf32, #tpu.memory_space<vmem_shared>>
      %dma_start3A_24 = tpu.memref_slice %arg7[%mul3A_15] : memref<81920xf32, #tpu.memory_space<vmem_shared>> -> memref<5120xf32, #tpu.memory_space<vmem_shared>>
      tpu.enqueue_dma source(%arg6 : memref<5120xf32, #tpu.memory_space<vmem>>) target(%dma_start3A_24 : memref<5120xf32, #tpu.memory_space<vmem_shared>>) target_semaphore(%run_scoped3A : memref<!tpu.dma_semaphore, #tpu.memory_space<semaphore_mem>>)
      %dma_wait3A = tpu.memref_slice %arg7[%mul3A_15] : memref<81920xf32, #tpu.memory_space<vmem_shared>> -> memref<5120xf32, #tpu.memory_space<vmem_shared>>
      %dma_wait3A_25 = tpu.memref_slice %arg7[%mul3A_15] : memref<81920xf32, #tpu.memory_space<vmem_shared>> -> memref<5120xf32, #tpu.memory_space<vmem_shared>>
      tpu.wait_dma2 semaphore(%run_scoped3A : memref<!tpu.dma_semaphore, #tpu.memory_space<semaphore_mem>>) src(%arg6 : memref<5120xf32, #tpu.memory_space<vmem>>) dst(%dma_wait3A_25 : memref<5120xf32, #tpu.memory_space<vmem_shared>>)
      tpu.yield
    }) : () -> ()
    "tpu.region"() ({
      %run_scoped3A = tpu.sem_alloc : memref<!tpu.dma_semaphore, #tpu.memory_space<semaphore_mem>>
      %dma_start3A = arith.constant 0 : i32
      %dma_start3A_24 = tpu.memref_slice %arg2[%add3A, %dma_start3A] : memref<32x6496xi32, #tpu.memory_space<hbm>> -> memref<1x6496xi32, #tpu.memory_space<hbm>>
      %dma_start3A_25 = tpu.memref_squeeze %dma_start3A_24 : memref<1x6496xi32, #tpu.memory_space<hbm>> -> memref<6496xi32, #tpu.memory_space<hbm>>
      %dma_start3A_26 = arith.constant 0 : i32
      %dma_start3A_27 = tpu.memref_slice %arg2[%add3A, %dma_start3A_26] : memref<32x6496xi32, #tpu.memory_space<hbm>> -> memref<1x6496xi32, #tpu.memory_space<hbm>>
      %dma_start3A_28 = tpu.memref_squeeze %dma_start3A_27 : memref<1x6496xi32, #tpu.memory_space<hbm>> -> memref<6496xi32, #tpu.memory_space<hbm>>
      tpu.enqueue_dma source(%dma_start3A_28 : memref<6496xi32, #tpu.memory_space<hbm>>) target(%arg4 : memref<6496xi32, #tpu.memory_space<vmem>>) target_semaphore(%run_scoped3A : memref<!tpu.dma_semaphore, #tpu.memory_space<semaphore_mem>>)
      %dma_wait3A = arith.constant 0 : i32
      %dma_wait3A_29 = tpu.memref_slice %arg2[%add3A, %dma_wait3A] : memref<32x6496xi32, #tpu.memory_space<hbm>> -> memref<1x6496xi32, #tpu.memory_space<hbm>>
      %dma_wait3A_30 = tpu.memref_squeeze %dma_wait3A_29 : memref<1x6496xi32, #tpu.memory_space<hbm>> -> memref<6496xi32, #tpu.memory_space<hbm>>
      %dma_wait3A_31 = arith.constant 0 : i32
      %dma_wait3A_32 = tpu.memref_slice %arg2[%add3A, %dma_wait3A_31] : memref<32x6496xi32, #tpu.memory_space<hbm>> -> memref<1x6496xi32, #tpu.memory_space<hbm>>
      %dma_wait3A_33 = tpu.memref_squeeze %dma_wait3A_32 : memref<1x6496xi32, #tpu.memory_space<hbm>> -> memref<6496xi32, #tpu.memory_space<hbm>>
      tpu.wait_dma2 semaphore(%run_scoped3A : memref<!tpu.dma_semaphore, #tpu.memory_space<semaphore_mem>>) src(%dma_wait3A_33 : memref<6496xi32, #tpu.memory_space<hbm>>) dst(%arg4 : memref<6496xi32, #tpu.memory_space<vmem>>)
      tpu.yield
    }) : () -> ()
    %barrier3A = arith.constant 0 : index
    tpu.barrier barrier_id(%barrier3A)
    "tpu.region"() ({
      %run_scoped3A = tpu.sem_alloc : memref<!tpu.dma_semaphore, #tpu.memory_space<semaphore_mem>>
      %dma_start3A = arith.constant 0 : i32
      %dma_start3A_24 = tpu.memref_slice %arg7[%dma_start3A] : memref<81920xf32, #tpu.memory_space<vmem_shared>> -> memref<81920xf32, #tpu.memory_space<vmem_shared>>
      tpu.enqueue_indirect_dma source(%arg5 : memref<6496xf32, #tpu.memory_space<vmem>>) target(%dma_start3A_24 : memref<81920xf32, #tpu.memory_space<vmem_shared>>) offsets(%arg4 : memref<6496xi32, #tpu.memory_space<vmem>>) semaphore(%run_scoped3A : memref<!tpu.dma_semaphore, #tpu.memory_space<semaphore_mem>>) {add = true}
      %dma_wait3A = arith.constant 0 : i32
      %dma_wait3A_25 = tpu.memref_slice %arg7[%dma_wait3A] : memref<81920xf32, #tpu.memory_space<vmem_shared>> -> memref<81920xf32, #tpu.memory_space<vmem_shared>>
      tpu.wait_indirect_dma semaphore(%run_scoped3A : memref<!tpu.dma_semaphore, #tpu.memory_space<semaphore_mem>>) src(%arg5 : memref<6496xf32, #tpu.memory_space<vmem>>) dst(%dma_wait3A_25 : memref<81920xf32, #tpu.memory_space<vmem_shared>>)
      tpu.yield
    }) : () -> ()
    %barrier3A_16 = arith.constant 0 : index
    tpu.barrier barrier_id(%barrier3A_16)
    %mul3A_17 = arith.constant 5000 : i32
    %mul3A_18 = arith.muli %arg1, %mul3A_17 : i32
    "tpu.region"() ({
      %run_scoped3A = tpu.sem_alloc : memref<!tpu.dma_semaphore, #tpu.memory_space<semaphore_mem>>
      %dma_start3A = arith.constant 0 : i32
      %dma_start3A_24 = tpu.memref_slice %arg6[%dma_start3A] : memref<5120xf32, #tpu.memory_space<vmem>> -> memref<5000xf32, #tpu.memory_space<vmem>>
      %dma_start3A_25 = tpu.memref_slice %arg7[%mul3A_18] : memref<81920xf32, #tpu.memory_space<vmem_shared>> -> memref<5000xf32, #tpu.memory_space<vmem_shared>>
      %dma_start3A_26 = arith.constant 0 : i32
      %dma_start3A_27 = tpu.memref_slice %arg6[%dma_start3A_26] : memref<5120xf32, #tpu.memory_space<vmem>> -> memref<5000xf32, #tpu.memory_space<vmem>>
      %dma_start3A_28 = tpu.memref_slice %arg7[%mul3A_18] : memref<81920xf32, #tpu.memory_space<vmem_shared>> -> memref<5000xf32, #tpu.memory_space<vmem_shared>>
      tpu.enqueue_dma source(%dma_start3A_28 : memref<5000xf32, #tpu.memory_space<vmem_shared>>) target(%dma_start3A_27 : memref<5000xf32, #tpu.memory_space<vmem>>) target_semaphore(%run_scoped3A : memref<!tpu.dma_semaphore, #tpu.memory_space<semaphore_mem>>)
      %dma_wait3A = arith.constant 0 : i32
      %dma_wait3A_29 = tpu.memref_slice %arg6[%dma_wait3A] : memref<5120xf32, #tpu.memory_space<vmem>> -> memref<5000xf32, #tpu.memory_space<vmem>>
      %dma_wait3A_30 = tpu.memref_slice %arg7[%mul3A_18] : memref<81920xf32, #tpu.memory_space<vmem_shared>> -> memref<5000xf32, #tpu.memory_space<vmem_shared>>
      %dma_wait3A_31 = arith.constant 0 : i32
      %dma_wait3A_32 = tpu.memref_slice %arg6[%dma_wait3A_31] : memref<5120xf32, #tpu.memory_space<vmem>> -> memref<5000xf32, #tpu.memory_space<vmem>>
      %dma_wait3A_33 = tpu.memref_slice %arg7[%mul3A_18] : memref<81920xf32, #tpu.memory_space<vmem_shared>> -> memref<5000xf32, #tpu.memory_space<vmem_shared>>
      tpu.wait_dma2 semaphore(%run_scoped3A : memref<!tpu.dma_semaphore, #tpu.memory_space<semaphore_mem>>) src(%dma_wait3A_33 : memref<5000xf32, #tpu.memory_space<vmem_shared>>) dst(%dma_wait3A_32 : memref<5000xf32, #tpu.memory_space<vmem>>)
      tpu.yield
    }) : () -> ()
    %mul3A_19 = arith.constant 80000 : i32
    %mul3A_20 = arith.muli %arg0, %mul3A_19 : i32
    %mul3A_21 = arith.constant 5000 : i32
    %mul3A_22 = arith.muli %arg1, %mul3A_21 : i32
    %add3A_23 = arith.addi %mul3A_20, %mul3A_22 : i32
    "tpu.region"() ({
      %run_scoped3A = tpu.sem_alloc : memref<!tpu.dma_semaphore, #tpu.memory_space<semaphore_mem>>
      %dma_start3A = arith.constant 0 : i32
      %dma_start3A_24 = tpu.memref_slice %arg6[%dma_start3A] : memref<5120xf32, #tpu.memory_space<vmem>> -> memref<5000xf32, #tpu.memory_space<vmem>>
      %dma_start3A_25 = tpu.memref_slice %arg3[%add3A_23] : memref<160000xf32, #tpu.memory_space<hbm>> -> memref<5000xf32, #tpu.memory_space<hbm>>
      %dma_start3A_26 = tpu.memref_slice %arg3[%add3A_23] : memref<160000xf32, #tpu.memory_space<hbm>> -> memref<5000xf32, #tpu.memory_space<hbm>>
      %dma_start3A_27 = arith.constant 0 : i32
      %dma_start3A_28 = tpu.memref_slice %arg6[%dma_start3A_27] : memref<5120xf32, #tpu.memory_space<vmem>> -> memref<5000xf32, #tpu.memory_space<vmem>>
      tpu.enqueue_dma source(%dma_start3A_28 : memref<5000xf32, #tpu.memory_space<vmem>>) target(%dma_start3A_26 : memref<5000xf32, #tpu.memory_space<hbm>>) target_semaphore(%run_scoped3A : memref<!tpu.dma_semaphore, #tpu.memory_space<semaphore_mem>>)
      %dma_wait3A = arith.constant 0 : i32
      %dma_wait3A_29 = tpu.memref_slice %arg6[%dma_wait3A] : memref<5120xf32, #tpu.memory_space<vmem>> -> memref<5000xf32, #tpu.memory_space<vmem>>
      %dma_wait3A_30 = tpu.memref_slice %arg3[%add3A_23] : memref<160000xf32, #tpu.memory_space<hbm>> -> memref<5000xf32, #tpu.memory_space<hbm>>
      %dma_wait3A_31 = tpu.memref_slice %arg3[%add3A_23] : memref<160000xf32, #tpu.memory_space<hbm>> -> memref<5000xf32, #tpu.memory_space<hbm>>
      %dma_wait3A_32 = arith.constant 0 : i32
      %dma_wait3A_33 = tpu.memref_slice %arg6[%dma_wait3A_32] : memref<5120xf32, #tpu.memory_space<vmem>> -> memref<5000xf32, #tpu.memory_space<vmem>>
      tpu.wait_dma2 semaphore(%run_scoped3A : memref<!tpu.dma_semaphore, #tpu.memory_space<semaphore_mem>>) src(%dma_wait3A_33 : memref<5000xf32, #tpu.memory_space<vmem>>) dst(%dma_wait3A_31 : memref<5000xf32, #tpu.memory_space<hbm>>)
      tpu.yield
    }) : () -> ()
    return
  }
}

module attributes {stable_mosaic.version = 14 : i64} {
  func.func @_hash_body(%arg0: i32, %arg1: memref<241x7168xf32, #tpu.memory_space<vmem>>, %arg2: memref<241x128xf32, #tpu.memory_space<vmem>>, %arg3: memref<2x128xi32, #tpu.memory_space<vmem>>, %arg4: memref<1x56x128xi32, #tpu.memory_space<vmem>>) attributes {dimension_semantics = [#tpu.dimension_semantics<arbitrary>], iteration_bounds = array<i64: 29>, scalar_prefetch = 0 : i64, scratch_operands = 0 : i64, tpu.core_type = #tpu.core_type<tc>, window_params = [{transform_indices = @transform_0, window_bounds = array<i64: 241, 7168>}, {pipeline_mode = #tpu.pipeline_mode<synchronous>, transform_indices = @transform_1, window_bounds = array<i64: 241, 128>}, {pipeline_mode = #tpu.pipeline_mode<synchronous>, transform_indices = @transform_2, window_bounds = array<i64: 2, 128>}, {transform_indices = @transform_3, window_bounds = array<i64: 1, 56, 128>}]} {
    %get3A = arith.constant 0 : index
    %get3A_0 = arith.constant 0 : index
    %get3A_1 = vector.load %arg1[%get3A, %get3A_0] : memref<241x7168xf32, #tpu.memory_space<vmem>>, vector<241x7168xf32>
    %get3A_2 = arith.constant 0 : index
    %get3A_3 = arith.constant 0 : index
    %get3A_4 = vector.load %arg2[%get3A_2, %get3A_3] : memref<241x128xf32, #tpu.memory_space<vmem>>, vector<241x128xf32>
    %dot_general3A = arith.constant dense<0.000000e+00> : vector<7168x128xf32>
    %dot_general3A_5 = tpu.matmul %get3A_1, %get3A_4, %dot_general3A {dimension_numbers = #tpu.dot_dimension_numbers<[0], [0], [1], [1], [0, 1, 1, 1], [], []>, transpose_lhs_hint = false} : vector<241x7168xf32>, vector<241x128xf32>, vector<7168x128xf32> -> vector<7168x128xf32>
    %convert_element_type3A = arith.fptosi %dot_general3A_5 : vector<7168x128xf32> to vector<7168x128xi32>
    %max3A = arith.constant 0 : i32
    %max3A_6 = vector.broadcast %max3A : i32 to vector<7168x128xi32>
    %max3A_7 = arith.maxsi %convert_element_type3A, %max3A_6 : vector<7168x128xi32>
    %get3A_8 = arith.constant 1 : index
    %get3A_9 = arith.constant 0 : index
    %get3A_10 = vector.load %arg3[%get3A_8, %get3A_9] : memref<2x128xi32, #tpu.memory_space<vmem>>, vector<1x128xi32>
    %get3A_11 = vector.shape_cast %get3A_10 : vector<1x128xi32> to vector<128xi32>
    %broadcast_in_dim3A = vector.shape_cast %get3A_11 : vector<128xi32> to vector<1x128xi32>
    %min3A = vector.broadcast %broadcast_in_dim3A : vector<1x128xi32> to vector<7168x128xi32>
    %min3A_12 = arith.minsi %max3A_7, %min3A : vector<7168x128xi32>
    %get3A_13 = arith.constant 0 : index
    %get3A_14 = arith.constant 0 : index
    %get3A_15 = vector.load %arg3[%get3A_13, %get3A_14] : memref<2x128xi32, #tpu.memory_space<vmem>>, vector<1x128xi32>
    %get3A_16 = vector.shape_cast %get3A_15 : vector<1x128xi32> to vector<128xi32>
    %broadcast_in_dim3A_17 = vector.shape_cast %get3A_16 : vector<128xi32> to vector<1x128xi32>
    %mul3A = vector.broadcast %broadcast_in_dim3A_17 : vector<1x128xi32> to vector<7168x128xi32>
    %mul3A_18 = arith.muli %min3A_12, %mul3A : vector<7168x128xi32>
    %reduce_sum3A = arith.constant dense<0> : vector<7168xi32>
    %reduce_sum3A_19 = vector.multi_reduction <add>, %mul3A_18, %reduce_sum3A [1] : vector<7168x128xi32> to vector<7168xi32>
    %reshape3A = vector.shape_cast %reduce_sum3A_19 : vector<7168xi32> to vector<1x56x128xi32>
    %swap3A = arith.constant 0 : index
    %swap3A_20 = arith.constant 0 : index
    %swap3A_21 = arith.constant 0 : index
    %swap3A_22 = vector.load %arg4[%swap3A, %swap3A_20, %swap3A_21] : memref<1x56x128xi32, #tpu.memory_space<vmem>>, vector<1x56x128xi32>
    tpu.vector_store %arg4[%swap3A, %swap3A_20, %swap3A_21], %reshape3A {strides = array<i32>} : memref<1x56x128xi32, #tpu.memory_space<vmem>>, vector<1x56x128xi32>,
    return
  }
  func.func @transform_0(%arg0: i32) -> (i32, i32) {
    %c0_i32 = arith.constant 0 : i32
    %c0_i32_0 = arith.constant 0 : i32
    return %c0_i32, %arg0 : i32, i32
  }
  func.func @transform_1(%arg0: i32) -> (i32, i32) {
    %c0_i32 = arith.constant 0 : i32
    %c0_i32_0 = arith.constant 0 : i32
    %c0_i32_1 = arith.constant 0 : i32
    return %c0_i32, %c0_i32_0 : i32, i32
  }
  func.func @transform_2(%arg0: i32) -> (i32, i32) {
    %c0_i32 = arith.constant 0 : i32
    %c0_i32_0 = arith.constant 0 : i32
    %c0_i32_1 = arith.constant 0 : i32
    return %c0_i32, %c0_i32_0 : i32, i32
  }
  func.func @transform_3(%arg0: i32) -> (i32, i32, i32) {
    %c0_i32 = arith.constant 0 : i32
    %c0_i32_0 = arith.constant 0 : i32
    %c0_i32_1 = arith.constant 0 : i32
    return %arg0, %c0_i32, %c0_i32_0 : i32, i32, i32
  }
}

</mosaic_0001>

<sc_bundles>
// kernel: kernel.4.cloned.1.call-start
scs
__scs_entry_jumppad:
0x0: {  	(pc) =	sbr.rel $0x88, $3  }
0x1: {  	(tag) =	ssettag $0x0;
	lr =	simm.s32 $0x1  }
0x2: {  	[smem:$0x3F9F] =	sst lr;
	_ =	strace $0xD0000000  }
0x3: {  	_ = 	snop  }
0x4: {  	_ = 	snop  }
0x5: {  	_ = 	snop  }
0x6: {  	_ = 	snop  }
0x7: {  	_ = 	snop  }
__scs_overlays_trampoline_lowered:
0x8: {  	[smem:$0x3FAE] =	sst s0  }
0x9: {  	[smem:$0x3FAF] =	sst s1  }
0xa: {  	[smem:$0x3FB0] =	sst s2  }
0xb: {  	[smem:$0x3FB1] =	sst s3  }
0xc: {  	[smem:$0x3FB2] =	sst s4  }
0xd: {  	[smem:$0x3FB3] =	sst s5  }
0xe: {  	[smem:$0x3FB4] =	sst s6  }
0xf: {  	[smem:$0x3FB5] =	sst s7  }
0x10: {  	[smem:$0x3FB6] =	sst s8  }
0x11: {  	[smem:$0x3FB7] =	sst s9;
	s0 =	simm.s32 @!p0 $0x0  }
0x12: {  	s1 =	sld [smem:$0x3F9D];
	s0 =	simm.s32 @p0 $0x1  }
0x13: {  	[smem:$0x3FB8] =	sst s0;
	s0 =	simm.s32 @!p1 $0x0  }
0x14: {  	s2 =	sld [smem:$0x3F9C];
	s0 =	simm.s32 @p1 $0x1  }
0x15: {  	[smem:$0x3FB9] =	sst s0;
	s0 =	simm.s32 @!p2 $0x0  }
0x16: {  	s3 =	sld [smem:$0x3FDB];
	s0 =	simm.s32 @p2 $0x1  }
0x17: {  	s4 =	simm.s32 $0x1BF5;
	[smem:$0x3FBB] =	sst s0  }
0x18: {  	s0 =	sld [smem:$0x3F9E];
	_ =	swait.ge [sflag:s4], $0x0  }
0x19: {  	s7 =	sld [smem:$0x3F9F]  }
0x1a: {  	s8 =	sadd.s32 $0xFFFFE003, lr  }
0x1b: {  	s9 =	sadd.s32 $0xFFFFFEF7, lr;
	s5 =	simm.s32 $0xFFFFFFFF;
	p2 =	slt.u32 s8, $0xFFFFF086  }
0x1c: {  	p1 =	slt.u32 s9, $0xF7A;
	s5 =	simm.s32 @!p2 $0x0  }
0x1d: {  	s5 =	simm.s32 @p1 $0x1;
	p0 =	seq.s32 s7, s2  }
0x1e: {  	s7 =	smul.u32 @!p0 $0xF7A, s2;
	p2 =	seq.s32 @!p0 s5, $0x0  }
0x1f: {  	s9 =	smul.u32 $0xF7A, s1;
	s8 =	simm.s32 @!p0 $0x1BF5;
	p2 =	por !p2, p0  }
0x20: {  	[sflag:s8] =	ssyncset.s32 @!p0 $0xFFFFF086;
	s6 =	sadd.s32 @!p0 s3, s7;
	s7 =	simm.s32 @!p0 $0x108  }
0x21: {  	s3 =	sadd.s32 s3, s9;
	s6 =	sadd.s32 @!p0 $0x88, s6;
	s7 =	simm.s32 @p2 $0x1082  }
0x22: {  	[simem:s7], [sflag:s8] =	dma.local @!p0 [hbm:s6], $0xF7A  }
0x23: {  	s9 =	sor.u32 $0xD0000000, s2;
	s6 =	simm.s32 $0x108;
	_ =	swait.ge @!p0 [sflag:s8], $0x0  }
0x24: {  	s3 =	sadd.s32 $0x88, s3;
	s6 =	simm.s32 @!p1 $0x1082;
	[sflag:s4] =	ssyncset.s32 $0xFFFFF086  }
0x25: {  	[simem:s6], [sflag:s4] =	dma.local [hbm:s3], $0xF7A  }
0x26: {  	[smem:$0x3F9F] =	sst s1;
	(tag) =	ssettag s2;
	_ =	strace s9  }
0x27: {  	s1 =	sld [smem:$0x3FAF]  }
0x28: {  	s2 =	sld [smem:$0x3FB0]  }
0x29: {  	s4 =	sld [smem:$0x3FB2]  }
0x2a: {  	p0 =	seq.s32 s5, $0x0;
	s5 =	sld [smem:$0x3FB3]  }
0x2b: {  	s6 =	sld [smem:$0x3FB4]  }
0x2c: {  	s7 =	sld [smem:$0x3FB5]  }
0x2d: {  	s3 =	simm.s32 $0x108;
	s8 =	sld [smem:$0x3FB6]  }
0x2e: {  	s3 =	simm.s32 @!p0 $0x1082;
	s9 =	sld [smem:$0x3FB7]  }
0x2f: {  	lr =	sadd.s32 s0, s3;
	s0 =	sld [smem:$0x3FAE]  }
0x30: {  	s3 =	sld [smem:$0x3FB1]  }
0x31: {  	[smem:$0x3FBA] =	sst s10  }
0x32: {  	s10 =	sld [smem:$0x3FB8];
	_ =	sdelay $0x3  }
0x33: {  	p0 =	seq.s32 s10, $0x1;
	s10 =	sld [smem:$0x3FBA];
	_ =	sdelay $0x3  }
0x34: {  	[smem:$0x3FBA] =	sst s10  }
0x35: {  	s10 =	sld [smem:$0x3FB9];
	_ =	sdelay $0x3  }
0x36: {  	p1 =	seq.s32 s10, $0x1;
	s10 =	sld [smem:$0x3FBA];
	_ =	sdelay $0x3  }
0x37: {  	[smem:$0x3FBA] =	sst s10  }
0x38: {  	s10 =	sld [smem:$0x3FBB]  }
0x39: {  	_ = 	snop;
	(pc) =	sbr.ind lr, $3  }
0x3a: {  	_ = 	snop  }
0x3b: {  	_ = 	snop  }
0x3c: {  	p2 =	seq.s32 s10, $0x1;
	s10 =	sld [smem:$0x3FBA]  }
0x3d: {  	_ =	shalt  }
0x3e: {  	_ =	shalt  }
0x3f: {  	_ =	shalt  }
0x40: {  	_ =	shalt  }
0x41: {  	_ =	shalt  }
0x42: {  	_ =	shalt  }
0x43: {  	_ =	shalt  }
0x44: {  	_ =	shalt  }
0x45: {  	_ =	shalt  }
0x46: {  	_ =	shalt  }
0x47: {  	_ =	shalt  }
0x48: {  	_ =	shalt  }
0x49: {  	_ =	shalt  }
0x4a: {  	_ =	shalt  }
0x4b: {  	_ =	shalt  }
0x4c: {  	_ =	shalt  }
0x4d: {  	_ =	shalt  }
0x4e: {  	_ =	shalt  }
0x4f: {  	_ =	shalt  }
0x50: {  	_ =	shalt  }
0x51: {  	_ =	shalt  }
0x52: {  	_ =	shalt  }
0x53: {  	_ =	shalt  }
0x54: {  	_ =	shalt  }
0x55: {  	_ =	shalt  }
0x56: {  	_ =	shalt  }
0x57: {  	_ =	shalt  }
0x58: {  	_ =	shalt  }
0x59: {  	_ =	shalt  }
0x5a: {  	_ =	shalt  }
0x5b: {  	_ =	shalt  }
0x5c: {  	_ =	shalt  }
0x5d: {  	_ =	shalt  }
0x5e: {  	_ =	shalt  }
0x5f: {  	_ =	shalt  }
0x60: {  	_ =	shalt  }
0x61: {  	_ =	shalt  }
0x62: {  	_ =	shalt  }
0x63: {  	_ =	shalt  }
0x64: {  	_ =	shalt  }
0x65: {  	_ =	shalt  }
0x66: {  	_ =	shalt  }
0x67: {  	_ =	shalt  }
0x68: {  	_ =	shalt  }
0x69: {  	_ =	shalt  }
0x6a: {  	_ =	shalt  }
0x6b: {  	_ =	shalt  }
0x6c: {  	_ =	shalt  }
0x6d: {  	_ =	shalt  }
0x6e: {  	_ =	shalt  }
0x6f: {  	_ =	shalt  }
0x70: {  	_ =	shalt  }
0x71: {  	_ =	shalt  }
0x72: {  	_ =	shalt  }
0x73: {  	_ =	shalt  }
0x74: {  	_ =	shalt  }
0x75: {  	_ =	shalt  }
0x76: {  	_ =	shalt  }
0x77: {  	_ =	shalt  }
0x78: {  	_ =	shalt  }
0x79: {  	_ =	shalt  }
0x7a: {  	_ =	shalt  }
0x7b: {  	_ =	shalt  }
0x7c: {  	_ =	shalt  }
0x7d: {  	_ =	shalt  }
0x7e: {  	_ =	shalt  }
0x7f: {  	_ =	shalt  }
0x80: {  	_ =	shalt  }
0x81: {  	_ =	shalt  }
0x82: {  	_ =	shalt  }
0x83: {  	_ =	shalt  }
0x84: {  	_ =	shalt  }
0x85: {  	_ =	shalt  }
0x86: {  	_ =	shalt  }
0x87: {  	_ =	shalt  }
.Lfunc_end0:
.L_simem_size_0:
called_computation_lowered:
.L_overlay_start_0:
0x88: {  	s2 =	sld [smem:$0x3FD9]  }
0x89: {  	s3 =	sld [smem:$0x3FFE];
	_ =	sdelay $0x1  }
0x8a: {  	s1 =	srdreg.scid  }
0x8b: {  	s0 =	sand.u32 $0x1, s1  }
0x8c: {  	s17 =	sshll.u32 s0, $0xA;
	s2 =	sadd.s32 s3, s2  }
0x8d: {  	s2 =	sadd.s32 s2, s17  }
0x8e: {  	[smem:$0x3FC6] =	sst s2  }
0x8f: {  	_ = 	snop  }
0x90: {  	s2 =	sld [smem:$0x3FD0];
	(tm) =	ssettm $0x1  }
0x91: {  	s18 =	sld [smem:$0x3FFB];
	_ =	sdelay $0x3  }
0x92: {  	_ =	strace s18  }
0x93: {  	s3 =	sld [smem:$0x3FFC];
	_ =	sdelay $0x3  }
0x94: {  	_ =	strace s3  }
0x95: {  	s3 =	sld [smem:$0x3FFD];
	_ =	sdelay $0x3  }
0x96: {  	_ =	strace s3  }
0x97: {  	_ =	strace $0x8FFFFFFF  }
0x98: {  	s19 =	sld [smem:$0x3FDB];
	_ =	sdelay $0x1  }
0x99: {  	s4 =	simm.s32 $_scs_section_size  }
0x9a: {  	s5 =	simm.s32 $_size__tile_overlayer_lowered;
	s6 =	simm.s32 $_tile_overlayer_lowered  }
0x9b: {  	s22 =	simm.s32 $0x1BFF;
	s21 =	sshll.u32 s6, $0x1;
	s3 =	sadd.s32 s4, s19  }
0x9c: {  	s7 =	simm.s32 $0x0;
	s20 =	sshll.u32 s5, $0x1;
	s5 =	sadd.s32 s21, s3  }
0x9d: {  	[timem:s7], [sflag:s22] =	dma.local [hbm:s5], s20  }
0x9e: {  	_ =	swait.ge [sflag:s22], s20  }
0x9f: {  	s4 =	ssub.s32 $0x0, s20;
	[sflag:s22] =	ssyncset.done $0x0  }
0xa0: {  	[sflag:s22] =	ssyncadd.s32 s4;
	_ =	sdelay $0x1  }
0xa1: {  	s23 =	simm.s32 $0x1B8B  }
0xa2: {  	_ =	swait.ge [sflag:s23], $0x1  }
0xa3: {  	[sflag:s23] =	ssyncset.done $0x0  }
0xa4: {  	s25 =	simm.s32 $0x1B8E;
	s24 =	sld [smem:$0x3FFE];
	[sflag:s23] =	ssyncadd.s32 $0xFFFFFFFF  }
0xa5: {  	s26 =	simm.s32 $execute0_lowered;
	[smem:$0x3FD2] =	sst s25  }
0xa6: {  	s5 =	sshll.u32 s26, $0x1;
	_ =	strace $0x80000046;
	[dreg:$0x1] =	wrdreg $0xFFFFFFFF  }
0xa7: {  	s28 =	simm.s32 $_size_execute0_lowered;
	s3 =	sadd.s32 s3, s5;
	[dreg:$0x0] =	wrdreg $0x0  }
0xa8: {  	s5 =	sshll.u32 s28, $0x1;
	[dreg:$0x2] =	wrdreg s3  }
0xa9: {  	[dreg:$0x3] =	wrdreg s5  }
0xaa: {  	[dreg:$0x4] =	wrdreg $0xC0  }
0xab: {  	_ =	task [dreg:s7], $0x5FFFF  }
0xac: {  	[dreg:$0x1] =	wrdreg $0xFFFFFFFF  }
0xad: {  	[dreg:$0x0] =	wrdreg $0x60  }
0xae: {  	[dreg:$0x2] =	wrdreg s2  }
0xaf: {  	[dreg:$0x3] =	wrdreg s24  }
0xb0: {  	[dreg:$0x4] =	wrdreg $0x47000  }
0xb1: {  	[dreg:$0x5] =	wrdreg $0x9  }
0xb2: {  	_ =	task.clear_ibuf [dreg:s7], $0x6FFFF;
	_ =	strace $0x90000046  }
0xb3: {  	s29 =	simm.s32 $0x9;
	_ =	strace $0x80000048  }
0xb4: {  	_ =	swait.ge [sflag:s29], $0x1  }
0xb5: {  	[sflag:s29] =	ssyncadd.s32 $0xFFFFFFFF  }
0xb6: {  	_ =	strace $0x90000048  }
0xb7: {  	_ =	sfence  }
0xb8: {  	s30 =	sld [smem:$0x0];
	_ =	sdelay $0x2  }
0xb9: {  	s31 =	sshll.u32 s1, $0xD;
	s1 =	sshrl.u32 s1, $0x2  }
0xba: {  	s3 =	sand.u32 $0x4000, s31;
	s1 =	sadd.s32 s1, s30  }
0xbb: {  	s0 =	sor.u32 s3, s0;
	s1 =	sshll.u32 s1, $0x11  }
0xbc: {  	s0 =	sor.u32 s1, s0  }
0xbd: {  	s0 =	sadd.s32 $0x8F2B, s0  }
0xbe: {  	[sflag:s0] =	ssyncadd.remote.s32 $0x1  }
0xbf: {  	_ =	sfence.sel $0xFFFF  }
0xc0: {  	[dreg:$0x0] =	wrdreg $0xFFFFFFFF;
	(pc) =	sbr.abs _section_cstart, $3  }
0xc1: {  	[dreg:$0x1] =	wrdreg $0xFFFFFFFF  }
0xc2: {  	_ =	task.clear_ibuf [dreg:s7], $0x2FFFF;
	_ =	strace $0x9FFFFFFF  }
0xc3: {  	(tm) =	ssettm $0x7FFFFFFF  }
tec
execute0_lowered:
.L_overlay_start_1:
0x0: {  	(tag) =	ssettag $0x1  }
0x1: {  	s5 =	rddreg [dreg:$0x0]  }
0x2: {  	s0 =	srdreg.scid;
	s7 =	rddreg [dreg:$0x1]  }
0x3: {  	s2 =	rddreg [dreg:$0x2];
	s1 =	stileid.u32;
	s3 =	simm.s32 $0x0  }
0x4: {  	s14 =	simm.s32 $0x1980;
	s4 =	sand.u32 $0x1, s0;
	s0 =	rddreg [dreg:$0x3]  }
0x5: {  	s15 =	simm.s32 $0x0;
	[smem:$0x7FF] =	sst s3;
	s8 =	smul.u32 $0x5000, s1  }
0x6: {  	s10 =	sshll.u32 s1, $0x7;
	s11 =	smul.u32 $0x1388, s1;
	s6 =	sshll.u32 s4, $0x4  }
0x7: {  	_ =	strace $0x80000047;
	s9 =	ssub.s32 $0x2, s4;
	s10 =	sand.u32 $0x380, s10  }
0x8: {  	s13 =	smul.u32 $0x13880, s4;
	s6 =	sor.u32 s1, s6;
	s12 =	sshrl.u32 s9, $0x1  }
0x9: {  	s30 =	sshrl.u32 s8, $0x2;
	s6 =	sshrl.u32 s6, $0x3;
	s9 =	ssub.s32 s9, s12  }
0xa: {  	s4 =	sadd.s32 s30, s2;
	s31 =	sadd.s32 s11, s13;
	s6 =	smul.u32 $0xCC00, s6  }
0xb: {  	s12 =	simm.s32 $0x400;
	s13 =	simm.s32 $0x1960;
	s8 =	sshrl.u32 s31, $0x3  }
0xc: {  	s7 =	sadd.s32 s7, s8;
	s8 =	smax.u32 s9, $0x1;
	s6 =	sor.u32 s10, s6  }
0xd: {  	s9 =	simm.s32 $0x3300;
	s10 =	simm.s32 $0x1;
	s6 =	sshrl.u32 s6, $0x3  }
0xe: {  	v0 =	vimm.f32 $1.000000000e+00;
	v1 =	vimm.f32 $0.0e+00;
	s5 =	sadd.s32 s5, s6;
	s6 =	sadd.s32 s11, s2;
	s11 =	simm.s32 $0x80  }
.LBB2_1:
0xf: {  	s16 =	simm.s32 $0x0  }
.LBB2_2:
0x10: {  	p0 =	sne.s32 s16, $0x6540  }
.Ltmp0:
0x11: {  	_ = 	snop;
	(pc) =	sbr.rel @p0 .LBB2_2-.Ltmp0, $3  }
0x12: {  	_ =	sdelay $0x1  }
0x13: {  	s17 =	sshra.s32 s16, $0x2  }
0x14: {  	s16 =	sadd.s32 $0x40, s16;
	[tilespmem:s17+$0x1980] =	vst v0  }
0x15: {  	s16 =	simm.s32 $0x40;
	s17 =	simm.s32 $0x0  }
.LBB2_4:
0x16: {  	p0 =	sne.s32 s16, $0x4FC0;
	[tilespmem:s17+$0x3300] =	vst v1;
	s17 =	smov.u32 s16;
	s16 =	sadd.s32 $0x40, s16  }
.Ltmp1:
0x17: {  	(pc) =	sbr.rel @p0 .LBB2_4-.Ltmp1, $2  }
0x18: {  	_ =	sdelay $0x2  }
0x19: {  	s17 =	sshra.s32 s17, $0x2  }
0x1a: {  	[tilespmem:s17+$0x3300] =	vst v1  }
0x1b: {  	[spmem:s4] =	stream.linear.scatter [tilespmem:s9], [sflag:$0x1], $0x1400, $0x38;
	[tilespmem:$0x5B00] =	vst v63  }
0x1c: {  	_ =	swait.ge [sflag:s10], $0x1400  }
0x1d: {  	[sflag:s10] =	ssyncset.done $0x0  }
0x1e: {  	[sflag:s10] =	ssyncadd.s32 $0xFFFFEC00  }
0x1f: {  	[tilespmem:s3], [sflag:$0x1] =	stream.strided.gather [hbm4b:s5+s11], $0x1980, s12, s11, $0x38;
	[tilespmem:$0x5B00] =	vst v63  }
0x20: {  	_ =	swait.ge [sflag:s10], $0x1980  }
0x21: {  	[sflag:s10] =	ssyncset.done $0x0  }
0x22: {  	[sflag:s10] =	ssyncadd.s32 $0xFFFFE680  }
0x23: {  	[bflag:$0x0] =	sbarrier.arrive $0xFFFF  }
0x24: {  	[spmem:s2] =	stream.indirect.scatter.add.f32 [tilespmem:s14], [sflag:$0x1], $0x1, s3, s13, $0xb8;
	[tilespmem:$0x5B00] =	vst v63  }
0x25: {  	_ =	swait.ge [sflag:s10], $0x1960  }
0x26: {  	[sflag:s10] =	ssyncset.done $0x0  }
0x27: {  	[sflag:s10] =	ssyncadd.s32 $0xFFFFE6A0  }
0x28: {  	[bflag:$0x0] =	sbarrier.arrive $0xFFFF  }
0x29: {  	[tilespmem:s9], [sflag:$0x1] =	stream.linear.gather [spmem:s6], $0x1388, $0x38;
	[tilespmem:$0x5B00] =	vst v63  }
0x2a: {  	s15 =	sadd.s32 $0x1, s15;
	_ =	swait.ge [sflag:s10], $0x1388  }
0x2b: {  	p0 =	sne.s32 s15, s8;
	[sflag:s10] =	ssyncset.done $0x0  }
.Ltmp2:
0x2c: {  	[sflag:s10] =	ssyncadd.s32 $0xFFFFEC78;
	(pc) =	sbr.rel @p0 .LBB2_1-.Ltmp2, $4  }
0x2d: {  	[hbm4b:s7+s3] =	stream.linear.scatter [tilespmem:s9], [sflag:$0x1], $0x1388, $0x38;
	[tilespmem:$0x5B00] =	vst v63  }
0x2e: {  	_ =	swait.ge [sflag:s10], $0x1388  }
0x2f: {  	[sflag:s10] =	ssyncset.done $0x0  }
0x30: {  	[sflag:s10] =	ssyncadd.s32 $0xFFFFEC78  }
0x31: {  	_ =	sfence.sel $0x180000  }
0x32: {  	[bflag:$0x0] =	sbarrier.arrive $0xFFFF  }
0x33: {  	p0 =	sne.s32 s1, $0x0;
	_ =	strace $0x90000047  }
0x34: {  	s0 =	sadd.s32 @!p0 $0x100000, s0;
	[bflag:$0x2] =	sbarrier.arrive $0xFFFF  }
0x35: {  	[sflag:s0] =	ssyncadd.tile.s32 @!p0 $0x1;
	_ =	shalt  }
.Lfunc_end2:
_tile_overlayer_lowered:
.L_overlay_start_2:
0x36: {  	(tag) =	ssettag $0x2  }
0x37: {  	s0 =	rddreg [dreg:$0x0];
	s2 =	stileid.u32  }
0x38: {  	s1 =	rddreg [dreg:$0x1];
	p0 =	sne.s32 s2, $0x0  }
0x39: {  	s3 =	rddreg [dreg:$0x2];
	[bflag:$0x3] =	sbarrier.arrive $0xFFFF;
	s2 =	simm.s32 @!p0 $0x1C01  }
0x3a: {  	[timem:s3], [sflag:s2] =	dma.local @!p0 [hbm:s0], s1  }
0x3b: {  	s0 =	simm.s32 @!p0 $0x1  }
0x3c: {  	_ =	swait.ge @!p0 [sflag:s0], s1  }
0x3d: {  	s1 =	ssub.s32 @!p0 $0x0, s1;
	[sflag:s0] =	ssyncset.done @!p0 $0x0  }
0x3e: {  	[sflag:s0] =	ssyncadd.s32 @!p0 s1  }
0x3f: {  	[bflag:$0x3] =	sbarrier.arrive $0xFFFF  }
0x40: {  	_ =	shalt  }

</sc_bundles>
